<compile_context>
chip_gen: v7x
topology: tpu7x:2x2x1
jax: 0.10.2.dev20260603
libtpu: 0.0.44.dev20260713+nightly
codegen_flags: <defaults>
</compile_context>

<pallas_src>
import functools

import jax
import jax.numpy as jnp
from jax import lax
from jax.experimental import pallas as pl
from jax.experimental.pallas import tpu as pltpu
from jax.experimental.pallas import tpu_sc as plsc

VOCAB = 100000
H = 128
FWD = 48
RETRO = 16
B = 16
T = 512
NTOK = B * T
NCAND = T - 3
NEG = -1e30

_NW = 32
_CH = 128
_BPW = NTOK // _NW
_NCHUNK = _BPW // _CH


def _gather_body(idx_hbm, table_hbm, out_hbm, idx_v, rows_v, sem):
    wid = lax.axis_index("s") * 2 + lax.axis_index("c")
    pltpu.sync_copy(idx_hbm.at[pl.ds(wid * _NCHUNK, _NCHUNK)], idx_v)
    copies = [
        pltpu.async_copy(table_hbm.at[idx_v.at[j]],
                         rows_v.at[pl.ds(j * _CH, _CH)], sem)
        for j in range(_NCHUNK)
    ]
    for c in copies:
        c.wait()
    pltpu.sync_copy(rows_v, out_hbm.at[pl.ds(wid * _BPW, _BPW)])


def _sc_gather(seq2d, emb):
    mesh = plsc.VectorSubcoreMesh(core_axis_name="c", subcore_axis_name="s")
    f = functools.partial(
        pl.kernel,
        mesh=mesh,
        out_type=jax.ShapeDtypeStruct((NTOK, H), jnp.float32),
        scratch_types=[
            pltpu.VMEM((_NCHUNK, _CH), jnp.int32),
            pltpu.VMEM((_BPW, H), jnp.float32),
            pltpu.SemaphoreType.DMA,
        ],
    )(_gather_body)
    return f(seq2d, emb)


def _bdot(a, b):
    return jnp.dot(a.astype(jnp.bfloat16), b.astype(jnp.bfloat16),
                   preferred_element_type=jnp.float32)


def _fused_body(h0_ref, ffw1_ref, ffb1_ref, ffw2_ref, ffb2_ref, lng_ref,
                lnb_ref, fgw_ref, fgb_ref, rw1_ref, rb1_ref,
                rw2_ref, rb2_ref, qw_ref, qb_ref, w_ref, ob_ref,
                o_ref, ctx_sc):
    i = pl.program_id(0)

    @pl.when(i == 0)
    def _encode():
        h0 = h0_ref[...]
        t = jnp.maximum(_bdot(h0, ffw1_ref[...]) + ffb1_ref[...], 0.0)
        ff = _bdot(t, ffw2_ref[...]) + ffb2_ref[...]
        x = h0 + ff
        mu = jnp.mean(x, axis=-1, keepdims=True)
        var = jnp.mean((x - mu) ** 2, axis=-1, keepdims=True)
        hidden = (x - mu) / jnp.sqrt(var + 1e-5) * lng_ref[...] + lnb_ref[...]

        h3 = hidden.reshape(B, T, H)
        col = lax.broadcasted_iota(jnp.int32, (B, T), 1)
        valid = col < NCAND

        fs = _bdot(hidden, fgw_ref[...]).reshape(B, T) + fgb_ref[...]
        fs = jnp.where(valid, fs, NEG)

        context = jnp.mean(h3, axis=1)
        gate_in = jnp.concatenate(
            [h3, jnp.broadcast_to(context[:, None, :], (B, T, H))],
            axis=-1).reshape(NTOK, 2 * H)
        g1 = jnp.maximum(_bdot(gate_in, rw1_ref[...]) + rb1_ref[...], 0.0)
        gsc_logit = _bdot(g1, rw2_ref[...]).reshape(B, T) + rb2_ref[...]

        def pick_step(_, wk_sel):
            wk, sel = wk_sel
            m = jnp.max(wk, axis=1, keepdims=True)
            pos = jnp.where(wk == m, col, jnp.int32(1 << 30))
            first = jnp.min(pos, axis=1, keepdims=True)
            pick = col == first
            return jnp.where(pick, NEG, wk), jnp.where(pick, 1.0, sel)

        zero_sel = jnp.zeros((B, T), dtype=jnp.float32)
        _, fwd_sel = lax.fori_loop(0, FWD, pick_step, (fs, zero_sel))
        gm = jnp.where(valid & (fwd_sel < 0.5), gsc_logit, NEG)
        _, retro_sel = lax.fori_loop(0, RETRO, pick_step, (gm, zero_sel))
        selected = (fwd_sel + retro_sel) > 0.5

        qh = h3[:, T - 2, :]
        q = _bdot(qh, qw_ref[...]) + qb_ref[...]
        h3r = h3.astype(jnp.bfloat16).astype(jnp.float32)
        qr = q.astype(jnp.bfloat16).astype(jnp.float32)
        rs = jnp.sum(h3r * qr[:, None, :], axis=-1)
        rs = jnp.where(selected, rs, NEG)
        mx = jnp.max(rs, axis=1, keepdims=True)
        e = jnp.exp(rs - mx)
        attn = e / jnp.sum(e, axis=1, keepdims=True)
        ctx_sc[...] = jnp.sum(h3 * attn[:, :, None], axis=1)

    o_ref[...] = _bdot(ctx_sc[...], w_ref[...]) + ob_ref[...]


_VT = 16384


def _fused_body(h0_ref, ffw1_ref, ffb1_ref, ffw2_ref, ffb2_ref, lng_ref,
                lnb_ref, fgw_ref, fgb_ref, rw1_ref, rb1_ref,
                rw2_ref, rb2_ref, qw_ref, qb_ref, w_ref, ob_ref,
                o_ref, ctx_sc):
    i = pl.program_id(0)

    @pl.when(i == 0)
    def _encode():
        h0 = h0_ref[...]
        t = jnp.maximum(_bdot(h0, ffw1_ref[...]) + ffb1_ref[...], 0.0)
        ff = _bdot(t, ffw2_ref[...]) + ffb2_ref[...]
        x = h0 + ff
        mu = jnp.mean(x, axis=-1, keepdims=True)
        var = jnp.mean((x - mu) ** 2, axis=-1, keepdims=True)
        hidden = (x - mu) / jnp.sqrt(var + 1e-5) * lng_ref[...] + lnb_ref[...]

        h3 = hidden.reshape(B, T, H)
        col = lax.broadcasted_iota(jnp.int32, (B, T), 1)
        valid = col < NCAND

        fs = _bdot(hidden, fgw_ref[...]).reshape(B, T) + fgb_ref[...]
        fs = jnp.where(valid, fs, NEG)

        context = jnp.mean(h3, axis=1)
        gate_in = jnp.concatenate(
            [h3, jnp.broadcast_to(context[:, None, :], (B, T, H))],
            axis=-1).reshape(NTOK, 2 * H)
        g1 = jnp.maximum(_bdot(gate_in, rw1_ref[...]) + rb1_ref[...], 0.0)
        gsc_logit = _bdot(g1, rw2_ref[...]).reshape(B, T) + rb2_ref[...]

        def pick_step(_, wk_sel):
            wk, sel = wk_sel
            m = jnp.max(wk, axis=1, keepdims=True)
            pos = jnp.where(wk == m, col, jnp.int32(1 << 30))
            first = jnp.min(pos, axis=1, keepdims=True)
            pick = col == first
            return jnp.where(pick, NEG, wk), jnp.where(pick, 1.0, sel)

        zero_sel = jnp.zeros((B, T), dtype=jnp.float32)
        _, fwd_sel = lax.fori_loop(0, FWD, pick_step, (fs, zero_sel))
        gm = jnp.where(valid & (fwd_sel < 0.5), gsc_logit, NEG)
        _, retro_sel = lax.fori_loop(0, RETRO, pick_step, (gm, zero_sel))
        selected = (fwd_sel + retro_sel) > 0.5

        qh = h3[:, T - 2, :]
        q = _bdot(qh, qw_ref[...]) + qb_ref[...]
        h3r = h3.astype(jnp.bfloat16).astype(jnp.float32)
        qr = q.astype(jnp.bfloat16).astype(jnp.float32)
        rs = jnp.sum(h3r * qr[:, None, :], axis=-1)
        rs = jnp.where(selected, rs, NEG)
        mx = jnp.max(rs, axis=1, keepdims=True)
        e = jnp.exp(rs - mx)
        attn = e / jnp.sum(e, axis=1, keepdims=True)
        ctx_sc[...] = jnp.sum(h3 * attn[:, :, None], axis=1)

    o_ref[...] = _bdot(ctx_sc[...], w_ref[...]) + ob_ref[...]


def _tc_fused(h0, ffw1, ffb1, ffw2, ffb2, lng, lnb, fgw, fgb,
              rw1, rb1, rw2, rb2, qw, qb, out_w, out_b2d):
    nblk = pl.cdiv(VOCAB, _VT)
    const = lambda i: (0, 0)
    return pl.pallas_call(
        _fused_body,
        grid=(nblk,),
        in_specs=[
            pl.BlockSpec((NTOK, H), const),
            pl.BlockSpec((H, 2 * H), const),
            pl.BlockSpec((1, 2 * H), const),
            pl.BlockSpec((2 * H, H), const),
            pl.BlockSpec((1, H), const),
            pl.BlockSpec((1, H), const),
            pl.BlockSpec((1, H), const),
            pl.BlockSpec((H, 1), const),
            pl.BlockSpec((1, 1), const),
            pl.BlockSpec((2 * H, H), const),
            pl.BlockSpec((1, H), const),
            pl.BlockSpec((H, 1), const),
            pl.BlockSpec((1, 1), const),
            pl.BlockSpec((H, H), const),
            pl.BlockSpec((1, H), const),
            pl.BlockSpec((H, _VT), lambda i: (0, i)),
            pl.BlockSpec((1, _VT), lambda i: (0, i)),
        ],
        out_specs=pl.BlockSpec((B, _VT), lambda i: (0, i)),
        out_shape=jax.ShapeDtypeStruct((B, VOCAB), jnp.float32),
        scratch_shapes=[pltpu.VMEM((B, H), jnp.float32)],
        compiler_params=pltpu.CompilerParams(
            dimension_semantics=("arbitrary",)),
    )(h0, ffw1, ffb1, ffw2, ffb2, lng, lnb, fgw, fgb,
      rw1, rb1, rw2, rb2, qw, qb, out_w, out_b2d)


def kernel(seq, emb, ff_w1, ff_b1, ff_w2, ff_b2, ln_g, ln_b, fg_w, fg_b,
           rev_w1, rev_b1, rev_w2, rev_b2, q_w, q_b, out_w, out_b):
    seq2d = seq.reshape(NTOK // _CH, _CH)
    h0 = _sc_gather(seq2d, emb)
    return _tc_fused(
        h0,
        ff_w1, ff_b1.reshape(1, 2 * H), ff_w2, ff_b2.reshape(1, H),
        ln_g.reshape(1, H), ln_b.reshape(1, H),
        fg_w, fg_b.reshape(1, 1),
        rev_w1, rev_b1.reshape(1, H),
        rev_w2, rev_b2.reshape(1, 1),
        q_w, q_b.reshape(1, H),
        out_w, out_b.reshape(1, VOCAB),
    )

# --- scband reference (transcript-rebuilt; emitter-appended) ---
"""Pipeline reference for scband-scaling-model-35270271435267 (READ-ONLY COPY).

The authoritative reference and input builder live on the scoring server;
editing this copy changes nothing except your own understanding.
"""

import jax, jax.numpy as jnp
import numpy as np

VOCAB = 100000
H = 128
MEM = 64
FWD = 48
RETRO = MEM - FWD
B = 16
T = 512


def _layernorm(x, g, b, eps=1e-5):
    mu = x.mean(-1, keepdims=True)
    var = ((x - mu) ** 2).mean(-1, keepdims=True)
    return (x - mu) / jnp.sqrt(var + eps) * g + b


def setup_inputs(seed: int = 0) -> dict:
    key = jax.random.key(seed)
    ks = jax.random.split(key, 20)

    def nrm(k, shape, s=0.02):
        return jax.random.normal(k, shape, dtype=jnp.float32) * s

    return {
        "seq": jax.random.randint(ks[0], (B, T), 0, VOCAB, dtype=jnp.int32),
        "emb": nrm(ks[1], (VOCAB, H)),
        "ff_w1": nrm(ks[2], (H, 2 * H)),
        "ff_b1": jnp.zeros((2 * H,), jnp.float32),
        "ff_w2": nrm(ks[3], (2 * H, H)),
        "ff_b2": jnp.zeros((H,), jnp.float32),
        "ln_g": jnp.ones((H,), jnp.float32),
        "ln_b": jnp.zeros((H,), jnp.float32),
        "fg_w": nrm(ks[4], (H, 1)),
        "fg_b": jnp.zeros((1,), jnp.float32),
        "rev_w1": nrm(ks[5], (2 * H, H)),
        "rev_b1": jnp.zeros((H,), jnp.float32),
        "rev_w2": nrm(ks[6], (H, 1)),
        "rev_b2": jnp.zeros((1,), jnp.float32),
        "q_w": nrm(ks[7], (H, H)),
        "q_b": jnp.zeros((H,), jnp.float32),
        "out_w": nrm(ks[8], (H, VOCAB)),
        "out_b": jnp.zeros((VOCAB,), jnp.float32),
    }


def reference(seq, emb, ff_w1, ff_b1, ff_w2, ff_b2, ln_g, ln_b, fg_w, fg_b,
              rev_w1, rev_b1, rev_w2, rev_b2, q_w, q_b, out_w, out_b):
    # Encoder
    h0 = jnp.take(emb, seq, axis=0)                      # [B, T, H] gather
    ff = jax.nn.relu(h0 @ ff_w1 + ff_b1) @ ff_w2 + ff_b2
    hidden = _layernorm(h0 + ff, ln_g, ln_b)             # [B, T, H]
    Bn, Tn, Hd = hidden.shape

    cand = hidden[:, :-3, :]                             # [B, n_cand, H]
    n_cand = cand.shape[1]
    fwd_scores = (cand @ fg_w).squeeze(-1) + fg_b[0]     # [B, n_cand]
    k = min(FWD, n_cand)
    _, fwd_idx = jax.lax.top_k(fwd_scores, k)            # [B, k]
    fwd_idx_sorted = jnp.sort(fwd_idx, axis=1)
    fwd_h = jnp.take_along_axis(hidden, fwd_idx_sorted[..., None], axis=1)  # [B, k, H]

    context = hidden.mean(axis=1)                        # [B, H]
    # retroactive revision gate over all candidates, excluding forward-selected ones
    gate_in = jnp.concatenate([cand, jnp.broadcast_to(context[:, None, :], cand.shape)], axis=-1)
    g1 = jax.nn.relu(gate_in @ rev_w1 + rev_b1)
    gsc = jax.nn.sigmoid((g1 @ rev_w2).squeeze(-1) + rev_b2[0])  # [B, n_cand]
    in_fwd = jnp.zeros((Bn, n_cand), dtype=jnp.bool_).at[
        jnp.arange(Bn)[:, None], fwd_idx].set(True)
    masked = jnp.where(in_fwd, -jnp.inf, gsc)
    _, retro_idx = jax.lax.top_k(masked, RETRO)          # [B, RETRO]
    retro_h = jnp.take_along_axis(hidden, retro_idx[..., None], axis=1)

    memory = jnp.concatenate([fwd_h, retro_h], axis=1)   # [B, MEM, H]
    mask = jnp.ones((Bn, MEM), dtype=jnp.float32)        # slots always full here

    # ReadHead
    query_h = hidden[:, -2, :]
    q = query_h @ q_w + q_b
    scores = jnp.einsum('bmh,bh->bm', memory, q)
    scores = jnp.where(mask == 0, -1e9, scores)
    attn = jax.nn.softmax(scores, axis=-1)
    ctx = (attn[..., None] * memory).sum(axis=1)
    return ctx @ out_w + out_b                           # [B, VOCAB]

if __name__ == "__main__":
    import jax
    _d = setup_inputs()
    print(jax.jit(kernel)(*tuple(_d.values())))

</pallas_src>

<mosaic_0001>
#map = affine_map<(d0, d1) -> (0, 0)>
module attributes {stable_mosaic.version = 14 : i64} {
  func.func @_gather_body(%arg0: i32, %arg1: i32, %arg2: memref<64x128xi32, #tpu.memory_space<hbm>>, %arg3: memref<100000x128xf32, #tpu.memory_space<hbm>>, %arg4: memref<8192x128xf32, #tpu.memory_space<hbm>>, %arg5: memref<2x128xi32, #tpu.memory_space<vmem>>, %arg6: memref<256x128xf32, #tpu.memory_space<vmem>>, %arg7: memref<!tpu.dma_semaphore, #tpu.memory_space<semaphore_mem>>) attributes {dimension_semantics = [#tpu.dimension_semantics<core_parallel>, #tpu.dimension_semantics<subcore_parallel>], iteration_bounds = array<i64: 2, 16>, scalar_prefetch = 0 : i64, scratch_operands = 3 : i64, tpu.core_type = #tpu.core_type<sc_vector_subcore>, window_params = [{transform_indices = #map}, {transform_indices = #map}, {transform_indices = #map}]} {
    %mul3A = arith.constant 2 : i32
    %mul3A_0 = arith.muli %arg1, %mul3A : i32
    %add3A = arith.addi %mul3A_0, %arg0 : i32
    %mul3A_1 = arith.constant 2 : i32
    %mul3A_2 = arith.muli %add3A, %mul3A_1 : i32
    "tpu.region"() ({
      %run_scoped3A = tpu.sem_alloc : memref<!tpu.dma_semaphore, #tpu.memory_space<semaphore_mem>>
      %dma_start3A_43 = arith.constant 0 : i32
      %dma_start3A_44 = tpu.memref_slice %arg2[%mul3A_2, %dma_start3A_43] : memref<64x128xi32, #tpu.memory_space<hbm>> -> memref<2x128xi32, #tpu.memory_space<hbm>>
      %dma_start3A_45 = arith.constant 0 : i32
      %dma_start3A_46 = tpu.memref_slice %arg2[%mul3A_2, %dma_start3A_45] : memref<64x128xi32, #tpu.memory_space<hbm>> -> memref<2x128xi32, #tpu.memory_space<hbm>>
      tpu.enqueue_dma source(%dma_start3A_46 : memref<2x128xi32, #tpu.memory_space<hbm>>) target(%arg5 : memref<2x128xi32, #tpu.memory_space<vmem>>) target_semaphore(%run_scoped3A : memref<!tpu.dma_semaphore, #tpu.memory_space<semaphore_mem>>)
      %dma_wait3A_47 = arith.constant 0 : i32
      %dma_wait3A_48 = tpu.memref_slice %arg2[%mul3A_2, %dma_wait3A_47] : memref<64x128xi32, #tpu.memory_space<hbm>> -> memref<2x128xi32, #tpu.memory_space<hbm>>
      %dma_wait3A_49 = arith.constant 0 : i32
      %dma_wait3A_50 = tpu.memref_slice %arg2[%mul3A_2, %dma_wait3A_49] : memref<64x128xi32, #tpu.memory_space<hbm>> -> memref<2x128xi32, #tpu.memory_space<hbm>>
      tpu.wait_dma2 semaphore(%run_scoped3A : memref<!tpu.dma_semaphore, #tpu.memory_space<semaphore_mem>>) src(%dma_wait3A_50 : memref<2x128xi32, #tpu.memory_space<hbm>>) dst(%arg5 : memref<2x128xi32, #tpu.memory_space<vmem>>)
      tpu.yield
    }) : () -> ()
    %dma_start3A = arith.constant 0 : i32
    %dma_start3A_3 = arith.constant 0 : i32
    %dma_start3A_4 = arith.constant 0 : i32
    %dma_start3A_5 = tpu.memref_slice %arg6[%dma_start3A_3, %dma_start3A_4] : memref<256x128xf32, #tpu.memory_space<vmem>> -> memref<128x128xf32, #tpu.memory_space<vmem>>
    %dma_start3A_6 = arith.constant 0 : i32
    %dma_start3A_7 = tpu.memref_slice %arg5[%dma_start3A, %dma_start3A_6] : memref<2x128xi32, #tpu.memory_space<vmem>> -> memref<1x128xi32, #tpu.memory_space<vmem>>
    %dma_start3A_8 = tpu.memref_squeeze %dma_start3A_7 : memref<1x128xi32, #tpu.memory_space<vmem>> -> memref<128xi32, #tpu.memory_space<vmem>>
    %dma_start3A_9 = arith.constant 0 : i32
    %dma_start3A_10 = arith.constant 0 : i32
    %dma_start3A_11 = tpu.memref_slice %arg3[%dma_start3A_9, %dma_start3A_10] : memref<100000x128xf32, #tpu.memory_space<hbm>> -> memref<100000x128xf32, #tpu.memory_space<hbm>>
    tpu.enqueue_indirect_dma source(%dma_start3A_11 : memref<100000x128xf32, #tpu.memory_space<hbm>>) target(%dma_start3A_5 : memref<128x128xf32, #tpu.memory_space<vmem>>) offsets(%dma_start3A_8 : memref<128xi32, #tpu.memory_space<vmem>>) semaphore(%arg7 : memref<!tpu.dma_semaphore, #tpu.memory_space<semaphore_mem>>)
    %dma_start3A_12 = arith.constant 1 : i32
    %dma_start3A_13 = arith.constant 128 : i32
    %dma_start3A_14 = arith.constant 0 : i32
    %dma_start3A_15 = tpu.memref_slice %arg6[%dma_start3A_13, %dma_start3A_14] : memref<256x128xf32, #tpu.memory_space<vmem>> -> memref<128x128xf32, #tpu.memory_space<vmem>>
    %dma_start3A_16 = arith.constant 0 : i32
    %dma_start3A_17 = tpu.memref_slice %arg5[%dma_start3A_12, %dma_start3A_16] : memref<2x128xi32, #tpu.memory_space<vmem>> -> memref<1x128xi32, #tpu.memory_space<vmem>>
    %dma_start3A_18 = tpu.memref_squeeze %dma_start3A_17 : memref<1x128xi32, #tpu.memory_space<vmem>> -> memref<128xi32, #tpu.memory_space<vmem>>
    %dma_start3A_19 = arith.constant 0 : i32
    %dma_start3A_20 = arith.constant 0 : i32
    %dma_start3A_21 = tpu.memref_slice %arg3[%dma_start3A_19, %dma_start3A_20] : memref<100000x128xf32, #tpu.memory_space<hbm>> -> memref<100000x128xf32, #tpu.memory_space<hbm>>
    tpu.enqueue_indirect_dma source(%dma_start3A_21 : memref<100000x128xf32, #tpu.memory_space<hbm>>) target(%dma_start3A_15 : memref<128x128xf32, #tpu.memory_space<vmem>>) offsets(%dma_start3A_18 : memref<128xi32, #tpu.memory_space<vmem>>) semaphore(%arg7 : memref<!tpu.dma_semaphore, #tpu.memory_space<semaphore_mem>>)
    %dma_wait3A = arith.constant 0 : i32
    %dma_wait3A_22 = arith.constant 0 : i32
    %dma_wait3A_23 = arith.constant 0 : i32
    %dma_wait3A_24 = tpu.memref_slice %arg6[%dma_wait3A_22, %dma_wait3A_23] : memref<256x128xf32, #tpu.memory_space<vmem>> -> memref<128x128xf32, #tpu.memory_space<vmem>>
    %dma_wait3A_25 = arith.constant 0 : i32
    %dma_wait3A_26 = tpu.memref_slice %arg5[%dma_wait3A, %dma_wait3A_25] : memref<2x128xi32, #tpu.memory_space<vmem>> -> memref<1x128xi32, #tpu.memory_space<vmem>>
    %dma_wait3A_27 = tpu.memref_squeeze %dma_wait3A_26 : memref<1x128xi32, #tpu.memory_space<vmem>> -> memref<128xi32, #tpu.memory_space<vmem>>
    %dma_wait3A_28 = arith.constant 0 : i32
    %dma_wait3A_29 = arith.constant 0 : i32
    %dma_wait3A_30 = tpu.memref_slice %arg3[%dma_wait3A_28, %dma_wait3A_29] : memref<100000x128xf32, #tpu.memory_space<hbm>> -> memref<100000x128xf32, #tpu.memory_space<hbm>>
    tpu.wait_indirect_dma semaphore(%arg7 : memref<!tpu.dma_semaphore, #tpu.memory_space<semaphore_mem>>) src(%dma_wait3A_30 : memref<100000x128xf32, #tpu.memory_space<hbm>>) dst(%dma_wait3A_24 : memref<128x128xf32, #tpu.memory_space<vmem>>)
    %dma_wait3A_31 = arith.constant 1 : i32
    %dma_wait3A_32 = arith.constant 128 : i32
    %dma_wait3A_33 = arith.constant 0 : i32
    %dma_wait3A_34 = tpu.memref_slice %arg6[%dma_wait3A_32, %dma_wait3A_33] : memref<256x128xf32, #tpu.memory_space<vmem>> -> memref<128x128xf32, #tpu.memory_space<vmem>>
    %dma_wait3A_35 = arith.constant 0 : i32
    %dma_wait3A_36 = tpu.memref_slice %arg5[%dma_wait3A_31, %dma_wait3A_35] : memref<2x128xi32, #tpu.memory_space<vmem>> -> memref<1x128xi32, #tpu.memory_space<vmem>>
    %dma_wait3A_37 = tpu.memref_squeeze %dma_wait3A_36 : memref<1x128xi32, #tpu.memory_space<vmem>> -> memref<128xi32, #tpu.memory_space<vmem>>
    %dma_wait3A_38 = arith.constant 0 : i32
    %dma_wait3A_39 = arith.constant 0 : i32
    %dma_wait3A_40 = tpu.memref_slice %arg3[%dma_wait3A_38, %dma_wait3A_39] : memref<100000x128xf32, #tpu.memory_space<hbm>> -> memref<100000x128xf32, #tpu.memory_space<hbm>>
    tpu.wait_indirect_dma semaphore(%arg7 : memref<!tpu.dma_semaphore, #tpu.memory_space<semaphore_mem>>) src(%dma_wait3A_40 : memref<100000x128xf32, #tpu.memory_space<hbm>>) dst(%dma_wait3A_34 : memref<128x128xf32, #tpu.memory_space<vmem>>)
    %mul3A_41 = arith.constant 256 : i32
    %mul3A_42 = arith.muli %add3A, %mul3A_41 : i32
    "tpu.region"() ({
      %run_scoped3A = tpu.sem_alloc : memref<!tpu.dma_semaphore, #tpu.memory_space<semaphore_mem>>
      %dma_start3A_43 = arith.constant 0 : i32
      %dma_start3A_44 = tpu.memref_slice %arg4[%mul3A_42, %dma_start3A_43] : memref<8192x128xf32, #tpu.memory_space<hbm>> -> memref<256x128xf32, #tpu.memory_space<hbm>>
      %dma_start3A_45 = arith.constant 0 : i32
      %dma_start3A_46 = tpu.memref_slice %arg4[%mul3A_42, %dma_start3A_45] : memref<8192x128xf32, #tpu.memory_space<hbm>> -> memref<256x128xf32, #tpu.memory_space<hbm>>
      tpu.enqueue_dma source(%arg6 : memref<256x128xf32, #tpu.memory_space<vmem>>) target(%dma_start3A_46 : memref<256x128xf32, #tpu.memory_space<hbm>>) target_semaphore(%run_scoped3A : memref<!tpu.dma_semaphore, #tpu.memory_space<semaphore_mem>>)
      %dma_wait3A_47 = arith.constant 0 : i32
      %dma_wait3A_48 = tpu.memref_slice %arg4[%mul3A_42, %dma_wait3A_47] : memref<8192x128xf32, #tpu.memory_space<hbm>> -> memref<256x128xf32, #tpu.memory_space<hbm>>
      %dma_wait3A_49 = arith.constant 0 : i32
      %dma_wait3A_50 = tpu.memref_slice %arg4[%mul3A_42, %dma_wait3A_49] : memref<8192x128xf32, #tpu.memory_space<hbm>> -> memref<256x128xf32, #tpu.memory_space<hbm>>
      tpu.wait_dma2 semaphore(%run_scoped3A : memref<!tpu.dma_semaphore, #tpu.memory_space<semaphore_mem>>) src(%arg6 : memref<256x128xf32, #tpu.memory_space<vmem>>) dst(%dma_wait3A_50 : memref<256x128xf32, #tpu.memory_space<hbm>>)
      tpu.yield
    }) : () -> ()
    return
  }
}

module attributes {stable_mosaic.version = 14 : i64} {
  func.func @_fused_body(%arg0: i32, %arg1: memref<8192x128xf32, #tpu.memory_space<vmem>>, %arg2: memref<128x256xf32, #tpu.memory_space<vmem>>, %arg3: memref<1x256xf32, #tpu.memory_space<vmem>>, %arg4: memref<256x128xf32, #tpu.memory_space<vmem>>, %arg5: memref<1x128xf32, #tpu.memory_space<vmem>>, %arg6: memref<1x128xf32, #tpu.memory_space<vmem>>, %arg7: memref<1x128xf32, #tpu.memory_space<vmem>>, %arg8: memref<128x1xf32, #tpu.memory_space<vmem>>, %arg9: memref<1x1xf32, #tpu.memory_space<vmem>>, %arg10: memref<256x128xf32, #tpu.memory_space<vmem>>, %arg11: memref<1x128xf32, #tpu.memory_space<vmem>>, %arg12: memref<128x1xf32, #tpu.memory_space<vmem>>, %arg13: memref<1x1xf32, #tpu.memory_space<vmem>>, %arg14: memref<128x128xf32, #tpu.memory_space<vmem>>, %arg15: memref<1x128xf32, #tpu.memory_space<vmem>>, %arg16: memref<128x16384xf32, #tpu.memory_space<vmem>>, %arg17: memref<1x16384xf32, #tpu.memory_space<vmem>>, %arg18: memref<16x16384xf32, #tpu.memory_space<vmem>>, %arg19: memref<16x128xf32, #tpu.memory_space<vmem>>) attributes {dimension_semantics = [#tpu.dimension_semantics<arbitrary>], iteration_bounds = array<i64: 7>, scalar_prefetch = 0 : i64, scratch_operands = 1 : i64, tpu.core_type = #tpu.core_type<tc>, window_params = [{pipeline_mode = #tpu.pipeline_mode<synchronous>, transform_indices = @transform_0, window_bounds = array<i64: 8192, 128>}, {pipeline_mode = #tpu.pipeline_mode<synchronous>, transform_indices = @transform_1, window_bounds = array<i64: 128, 256>}, {pipeline_mode = #tpu.pipeline_mode<synchronous>, transform_indices = @transform_2, window_bounds = array<i64: 1, 256>}, {pipeline_mode = #tpu.pipeline_mode<synchronous>, transform_indices = @transform_3, window_bounds = array<i64: 256, 128>}, {pipeline_mode = #tpu.pipeline_mode<synchronous>, transform_indices = @transform_4, window_bounds = array<i64: 1, 128>}, {pipeline_mode = #tpu.pipeline_mode<synchronous>, transform_indices = @transform_5, window_bounds = array<i64: 1, 128>}, {pipeline_mode = #tpu.pipeline_mode<synchronous>, transform_indices = @transform_6, window_bounds = array<i64: 1, 128>}, {pipeline_mode = #tpu.pipeline_mode<synchronous>, transform_indices = @transform_7, window_bounds = array<i64: 128, 1>}, {pipeline_mode = #tpu.pipeline_mode<synchronous>, transform_indices = @transform_8, window_bounds = array<i64: 1, 1>}, {pipeline_mode = #tpu.pipeline_mode<synchronous>, transform_indices = @transform_9, window_bounds = array<i64: 256, 128>}, {pipeline_mode = #tpu.pipeline_mode<synchronous>, transform_indices = @transform_10, window_bounds = array<i64: 1, 128>}, {pipeline_mode = #tpu.pipeline_mode<synchronous>, transform_indices = @transform_11, window_bounds = array<i64: 128, 1>}, {pipeline_mode = #tpu.pipeline_mode<synchronous>, transform_indices = @transform_12, window_bounds = array<i64: 1, 1>}, {pipeline_mode = #tpu.pipeline_mode<synchronous>, transform_indices = @transform_13, window_bounds = array<i64: 128, 128>}, {pipeline_mode = #tpu.pipeline_mode<synchronous>, transform_indices = @transform_14, window_bounds = array<i64: 1, 128>}, {transform_indices = @transform_15, window_bounds = array<i64: 128, 16384>}, {transform_indices = @transform_16, window_bounds = array<i64: 1, 16384>}, {transform_indices = @transform_17, window_bounds = array<i64: 16, 16384>}]} {
    %eq3A = arith.constant 0 : i32
    %eq3A_0 = arith.cmpi eq, %arg0, %eq3A : i32
    %convert_element_type3A = arith.extui %eq3A_0 : i1 to i32
    %cond3A = arith.constant 0 : i32
    %cond3A_1 = arith.cmpi ne, %convert_element_type3A, %cond3A : i32
    scf.if %cond3A_1 {
      %get3A_16 = arith.constant 0 : index
      %get3A_17 = arith.constant 0 : index
      %get3A_18 = vector.load %arg1[%get3A_16, %get3A_17] : memref<8192x128xf32, #tpu.memory_space<vmem>>, vector<8192x128xf32>
      %get3A_19 = arith.constant 0 : index
      %get3A_20 = arith.constant 0 : index
      %get3A_21 = vector.load %arg2[%get3A_19, %get3A_20] : memref<128x256xf32, #tpu.memory_space<vmem>>, vector<128x256xf32>
      %convert_element_type3A_22 = arith.truncf %get3A_18 : vector<8192x128xf32> to vector<8192x128xbf16>
      %convert_element_type3A_23 = arith.truncf %get3A_21 : vector<128x256xf32> to vector<128x256xbf16>
      %dot_general3A_24 = arith.constant dense<0.000000e+00> : vector<8192x256xf32>
      %dot_general3A_25 = tpu.matmul %convert_element_type3A_22, %convert_element_type3A_23, %dot_general3A_24 {dimension_numbers = #tpu.dot_dimension_numbers<[1], [0], [0], [1], [0, 0, 1, 1], [], []>, transpose_lhs_hint = false} : vector<8192x128xbf16>, vector<128x256xbf16>, vector<8192x256xf32> -> vector<8192x256xf32>
      %get3A_26 = arith.constant 0 : index
      %get3A_27 = arith.constant 0 : index
      %get3A_28 = vector.load %arg3[%get3A_26, %get3A_27] : memref<1x256xf32, #tpu.memory_space<vmem>>, vector<1x256xf32>
      %add3A_29 = vector.broadcast %get3A_28 : vector<1x256xf32> to vector<8192x256xf32>
      %add3A_30 = arith.addf %dot_general3A_25, %add3A_29 : vector<8192x256xf32>
      %max3A = arith.constant 0.000000e+00 : f32
      %max3A_31 = vector.broadcast %max3A : f32 to vector<8192x256xf32>
      %max3A_32 = arith.maximumf %add3A_30, %max3A_31 : vector<8192x256xf32>
      %get3A_33 = arith.constant 0 : index
      %get3A_34 = arith.constant 0 : index
      %get3A_35 = vector.load %arg4[%get3A_33, %get3A_34] : memref<256x128xf32, #tpu.memory_space<vmem>>, vector<256x128xf32>
      %convert_element_type3A_36 = arith.truncf %max3A_32 : vector<8192x256xf32> to vector<8192x256xbf16>
      %convert_element_type3A_37 = arith.truncf %get3A_35 : vector<256x128xf32> to vector<256x128xbf16>
      %dot_general3A_38 = arith.constant dense<0.000000e+00> : vector<8192x128xf32>
      %dot_general3A_39 = tpu.matmul %convert_element_type3A_36, %convert_element_type3A_37, %dot_general3A_38 {dimension_numbers = #tpu.dot_dimension_numbers<[1], [0], [0], [1], [0, 0, 1, 1], [], []>, transpose_lhs_hint = false} : vector<8192x256xbf16>, vector<256x128xbf16>, vector<8192x128xf32> -> vector<8192x128xf32>
      %get3A_40 = arith.constant 0 : index
      %get3A_41 = arith.constant 0 : index
      %get3A_42 = vector.load %arg5[%get3A_40, %get3A_41] : memref<1x128xf32, #tpu.memory_space<vmem>>, vector<1x128xf32>
      %add3A_43 = vector.broadcast %get3A_42 : vector<1x128xf32> to vector<8192x128xf32>
      %add3A_44 = arith.addf %dot_general3A_39, %add3A_43 : vector<8192x128xf32>
      %add3A_45 = arith.addf %get3A_18, %add3A_44 : vector<8192x128xf32>
      %reduce_sum3A = arith.constant dense<0.000000e+00> : vector<8192xf32>
      %reduce_sum3A_46 = vector.multi_reduction <add>, %add3A_45, %reduce_sum3A [1] : vector<8192x128xf32> to vector<8192xf32>
      %broadcast_in_dim3A = vector.shape_cast %reduce_sum3A_46 : vector<8192xf32> to vector<8192x1xf32>
      %div3A = arith.constant 1.280000e+02 : f32
      %div3A_47 = vector.broadcast %div3A : f32 to vector<8192x1xf32>
      %div3A_48 = arith.divf %broadcast_in_dim3A, %div3A_47 : vector<8192x1xf32>
      %sub3A = vector.broadcast %div3A_48 : vector<8192x1xf32> to vector<8192x128xf32>
      %sub3A_49 = arith.subf %add3A_45, %sub3A : vector<8192x128xf32>
      %integer_pow3A = arith.mulf %sub3A_49, %sub3A_49 : vector<8192x128xf32>
      %reduce_sum3A_50 = arith.constant dense<0.000000e+00> : vector<8192xf32>
      %reduce_sum3A_51 = vector.multi_reduction <add>, %integer_pow3A, %reduce_sum3A_50 [1] : vector<8192x128xf32> to vector<8192xf32>
      %broadcast_in_dim3A_52 = vector.shape_cast %reduce_sum3A_51 : vector<8192xf32> to vector<8192x1xf32>
      %div3A_53 = arith.constant 1.280000e+02 : f32
      %div3A_54 = vector.broadcast %div3A_53 : f32 to vector<8192x1xf32>
      %div3A_55 = arith.divf %broadcast_in_dim3A_52, %div3A_54 : vector<8192x1xf32>
      %sub3A_56 = vector.broadcast %div3A_48 : vector<8192x1xf32> to vector<8192x128xf32>
      %sub3A_57 = arith.subf %add3A_45, %sub3A_56 : vector<8192x128xf32>
      %add3A_58 = arith.constant 9.99999974E-6 : f32
      %add3A_59 = vector.broadcast %add3A_58 : f32 to vector<8192x1xf32>
      %add3A_60 = arith.addf %div3A_55, %add3A_59 : vector<8192x1xf32>
      %sqrt3A = math.sqrt %add3A_60 : vector<8192x1xf32>
      %div3A_61 = vector.broadcast %sqrt3A : vector<8192x1xf32> to vector<8192x128xf32>
      %div3A_62 = arith.divf %sub3A_57, %div3A_61 : vector<8192x128xf32>
      %get3A_63 = arith.constant 0 : index
      %get3A_64 = arith.constant 0 : index
      %get3A_65 = vector.load %arg6[%get3A_63, %get3A_64] : memref<1x128xf32, #tpu.memory_space<vmem>>, vector<1x128xf32>
      %mul3A = vector.broadcast %get3A_65 : vector<1x128xf32> to vector<8192x128xf32>
      %mul3A_66 = arith.mulf %div3A_62, %mul3A : vector<8192x128xf32>
      %get3A_67 = arith.constant 0 : index
      %get3A_68 = arith.constant 0 : index
      %get3A_69 = vector.load %arg7[%get3A_67, %get3A_68] : memref<1x128xf32, #tpu.memory_space<vmem>>, vector<1x128xf32>
      %add3A_70 = vector.broadcast %get3A_69 : vector<1x128xf32> to vector<8192x128xf32>
      %add3A_71 = arith.addf %mul3A_66, %add3A_70 : vector<8192x128xf32>
      %reshape3A = vector.shape_cast %add3A_71 : vector<8192x128xf32> to vector<16x512x128xf32>
      %iota3A = tpu.iota {dimensions = array<i32: 1>} : vector<16x512xi32>
      %lt3A = arith.constant 509 : i32
      %lt3A_72 = vector.broadcast %lt3A : i32 to vector<16x512xi32>
      %lt3A_73 = arith.cmpi slt, %iota3A, %lt3A_72 : vector<16x512xi32>
      %get3A_74 = arith.constant 0 : index
      %get3A_75 = arith.constant 0 : index
      %get3A_76 = vector.load %arg8[%get3A_74, %get3A_75] : memref<128x1xf32, #tpu.memory_space<vmem>>, vector<128x1xf32>
      %convert_element_type3A_77 = arith.truncf %add3A_71 : vector<8192x128xf32> to vector<8192x128xbf16>
      %convert_element_type3A_78 = arith.truncf %get3A_76 : vector<128x1xf32> to vector<128x1xbf16>
      %dot_general3A_79 = arith.constant dense<0.000000e+00> : vector<8192x1xf32>
      %dot_general3A_80 = tpu.matmul %convert_element_type3A_77, %convert_element_type3A_78, %dot_general3A_79 {dimension_numbers = #tpu.dot_dimension_numbers<[1], [0], [0], [1], [0, 0, 1, 1], [], []>, transpose_lhs_hint = false} : vector<8192x128xbf16>, vector<128x1xbf16>, vector<8192x1xf32> -> vector<8192x1xf32>
      %reshape3A_81 = vector.shape_cast %dot_general3A_80 : vector<8192x1xf32> to vector<16x512xf32>
      %get3A_82 = arith.constant 0 : index
      %get3A_83 = arith.constant 0 : index
      %get3A_84 = vector.load %arg9[%get3A_82, %get3A_83] : memref<1x1xf32, #tpu.memory_space<vmem>>, vector<1x1xf32>
      %add3A_85 = vector.broadcast %get3A_84 : vector<1x1xf32> to vector<16x512xf32>
      %add3A_86 = arith.addf %reshape3A_81, %add3A_85 : vector<16x512xf32>
      %jit3A = arith.constant -1.000000e+30 : f32
      %broadcast_in_dim3A_87 = vector.broadcast %jit3A : f32 to vector<16x512xf32>
      %select_n3A = arith.select %lt3A_73, %add3A_86, %broadcast_in_dim3A_87 : vector<16x512xi1>, vector<16x512xf32>
      %reduce_sum3A_88 = arith.constant dense<0.000000e+00> : vector<16x128xf32>
      %reduce_sum3A_89 = vector.multi_reduction <add>, %reshape3A, %reduce_sum3A_88 [1] : vector<16x512x128xf32> to vector<16x128xf32>
      %div3A_90 = arith.constant 5.120000e+02 : f32
      %div3A_91 = vector.broadcast %div3A_90 : f32 to vector<16x128xf32>
      %div3A_92 = arith.divf %reduce_sum3A_89, %div3A_91 : vector<16x128xf32>
      %broadcast_in_dim3A_93 = vector.shape_cast %div3A_92 : vector<16x128xf32> to vector<16x1x128xf32>
      %broadcast_in_dim3A_94 = vector.shape_cast %broadcast_in_dim3A_93 : vector<16x1x128xf32> to vector<16x1x128xf32>
      %broadcast_in_dim3A_95 = vector.broadcast %broadcast_in_dim3A_94 : vector<16x1x128xf32> to vector<16x512x128xf32>
      %concatenate3A = tpu.concatenate %reshape3A, %broadcast_in_dim3A_95 in 2 : vector<16x512x128xf32>, vector<16x512x128xf32> -> vector<16x512x256xf32>
      %reshape3A_96 = vector.shape_cast %concatenate3A : vector<16x512x256xf32> to vector<8192x256xf32>
      %get3A_97 = arith.constant 0 : index
      %get3A_98 = arith.constant 0 : index
      %get3A_99 = vector.load %arg10[%get3A_97, %get3A_98] : memref<256x128xf32, #tpu.memory_space<vmem>>, vector<256x128xf32>
      %convert_element_type3A_100 = arith.truncf %reshape3A_96 : vector<8192x256xf32> to vector<8192x256xbf16>
      %convert_element_type3A_101 = arith.truncf %get3A_99 : vector<256x128xf32> to vector<256x128xbf16>
      %dot_general3A_102 = arith.constant dense<0.000000e+00> : vector<8192x128xf32>
      %dot_general3A_103 = tpu.matmul %convert_element_type3A_100, %convert_element_type3A_101, %dot_general3A_102 {dimension_numbers = #tpu.dot_dimension_numbers<[1], [0], [0], [1], [0, 0, 1, 1], [], []>, transpose_lhs_hint = false} : vector<8192x256xbf16>, vector<256x128xbf16>, vector<8192x128xf32> -> vector<8192x128xf32>
      %get3A_104 = arith.constant 0 : index
      %get3A_105 = arith.constant 0 : index
      %get3A_106 = vector.load %arg11[%get3A_104, %get3A_105] : memref<1x128xf32, #tpu.memory_space<vmem>>, vector<1x128xf32>
      %add3A_107 = vector.broadcast %get3A_106 : vector<1x128xf32> to vector<8192x128xf32>
      %add3A_108 = arith.addf %dot_general3A_103, %add3A_107 : vector<8192x128xf32>
      %max3A_109 = arith.constant 0.000000e+00 : f32
      %max3A_110 = vector.broadcast %max3A_109 : f32 to vector<8192x128xf32>
      %max3A_111 = arith.maximumf %add3A_108, %max3A_110 : vector<8192x128xf32>
      %get3A_112 = arith.constant 0 : index
      %get3A_113 = arith.constant 0 : index
      %get3A_114 = vector.load %arg12[%get3A_112, %get3A_113] : memref<128x1xf32, #tpu.memory_space<vmem>>, vector<128x1xf32>
      %convert_element_type3A_115 = arith.truncf %max3A_111 : vector<8192x128xf32> to vector<8192x128xbf16>
      %convert_element_type3A_116 = arith.truncf %get3A_114 : vector<128x1xf32> to vector<128x1xbf16>
      %dot_general3A_117 = arith.constant dense<0.000000e+00> : vector<8192x1xf32>
      %dot_general3A_118 = tpu.matmul %convert_element_type3A_115, %convert_element_type3A_116, %dot_general3A_117 {dimension_numbers = #tpu.dot_dimension_numbers<[1], [0], [0], [1], [0, 0, 1, 1], [], []>, transpose_lhs_hint = false} : vector<8192x128xbf16>, vector<128x1xbf16>, vector<8192x1xf32> -> vector<8192x1xf32>
      %reshape3A_119 = vector.shape_cast %dot_general3A_118 : vector<8192x1xf32> to vector<16x512xf32>
      %get3A_120 = arith.constant 0 : index
      %get3A_121 = arith.constant 0 : index
      %get3A_122 = vector.load %arg13[%get3A_120, %get3A_121] : memref<1x1xf32, #tpu.memory_space<vmem>>, vector<1x1xf32>
      %add3A_123 = vector.broadcast %get3A_122 : vector<1x1xf32> to vector<16x512xf32>
      %add3A_124 = arith.addf %reshape3A_119, %add3A_123 : vector<16x512xf32>
      %broadcast_in_dim3A_125 = arith.constant 0.000000e+00 : f32
      %broadcast_in_dim3A_126 = vector.broadcast %broadcast_in_dim3A_125 : f32 to vector<16x512xf32>
      %scan3A = arith.constant 0 : i32
      %scan3A_127 = arith.constant 48 : i32
      %scan3A_128 = arith.addi %scan3A, %scan3A_127 : i32
      %scan3A_129 = arith.constant 1 : i32
      %scan3A_130:2 = scf.for %scan3A_186 = %scan3A to %scan3A_128 step %scan3A_129 iter_args(%scan3A_187 = %select_n3A, %scan3A_188 = %broadcast_in_dim3A_126) -> (vector<16x512xf32>, vector<16x512xf32>)  : i32 {
        %reduce_max3A_189 = arith.constant dense<0xFF800000> : vector<16xf32>
        %reduce_max3A_190 = vector.multi_reduction <maximumf>, %scan3A_187, %reduce_max3A_189 [1] : vector<16x512xf32> to vector<16xf32>
        %broadcast_in_dim3A_191 = vector.shape_cast %reduce_max3A_190 : vector<16xf32> to vector<16x1xf32>
        %eq3A_192 = vector.broadcast %broadcast_in_dim3A_191 : vector<16x1xf32> to vector<16x512xf32>
        %eq3A_193 = arith.cmpf oeq, %scan3A_187, %eq3A_192 : vector<16x512xf32>
        %jit3A_194 = arith.constant 1073741824 : i32
        %broadcast_in_dim3A_195 = vector.broadcast %jit3A_194 : i32 to vector<16x512xi32>
        %select_n3A_196 = arith.select %eq3A_193, %iota3A, %broadcast_in_dim3A_195 : vector<16x512xi1>, vector<16x512xi32>
        %reduce_min3A = arith.constant dense<2147483647> : vector<16xi32>
        %reduce_min3A_197 = vector.multi_reduction <minsi>, %select_n3A_196, %reduce_min3A [1] : vector<16x512xi32> to vector<16xi32>
        %broadcast_in_dim3A_198 = vector.shape_cast %reduce_min3A_197 : vector<16xi32> to vector<16x1xi32>
        %eq3A_199 = vector.broadcast %broadcast_in_dim3A_198 : vector<16x1xi32> to vector<16x512xi32>
        %eq3A_200 = arith.cmpi eq, %iota3A, %eq3A_199 : vector<16x512xi32>
        %jit3A_201 = arith.constant -1.000000e+30 : f32
        %broadcast_in_dim3A_202 = vector.broadcast %jit3A_201 : f32 to vector<16x512xf32>
        %select_n3A_203 = arith.select %eq3A_200, %broadcast_in_dim3A_202, %scan3A_187 : vector<16x512xi1>, vector<16x512xf32>
        %jit3A_204 = arith.constant 1.000000e+00 : f32
        %broadcast_in_dim3A_205 = vector.broadcast %jit3A_204 : f32 to vector<16x512xf32>
        %select_n3A_206 = arith.select %eq3A_200, %broadcast_in_dim3A_205, %scan3A_188 : vector<16x512xi1>, vector<16x512xf32>
        scf.yield %select_n3A_203, %select_n3A_206 : vector<16x512xf32>, vector<16x512xf32>
      }
      %lt3A_131 = arith.constant 5.000000e-01 : f32
      %lt3A_132 = vector.broadcast %lt3A_131 : f32 to vector<16x512xf32>
      %lt3A_133 = arith.cmpf olt, %scan3A_130#1, %lt3A_132 : vector<16x512xf32>
      %and3A = arith.andi %lt3A_73, %lt3A_133 : vector<16x512xi1>
      %jit3A_134 = arith.constant -1.000000e+30 : f32
      %broadcast_in_dim3A_135 = vector.broadcast %jit3A_134 : f32 to vector<16x512xf32>
      %select_n3A_136 = arith.select %and3A, %add3A_124, %broadcast_in_dim3A_135 : vector<16x512xi1>, vector<16x512xf32>
      %scan3A_137 = arith.constant 0 : i32
      %scan3A_138 = arith.constant 16 : i32
      %scan3A_139 = arith.addi %scan3A_137, %scan3A_138 : i32
      %scan3A_140 = arith.constant 1 : i32
      %scan3A_141:2 = scf.for %scan3A_186 = %scan3A_137 to %scan3A_139 step %scan3A_140 iter_args(%scan3A_187 = %select_n3A_136, %scan3A_188 = %broadcast_in_dim3A_126) -> (vector<16x512xf32>, vector<16x512xf32>)  : i32 {
        %reduce_max3A_189 = arith.constant dense<0xFF800000> : vector<16xf32>
        %reduce_max3A_190 = vector.multi_reduction <maximumf>, %scan3A_187, %reduce_max3A_189 [1] : vector<16x512xf32> to vector<16xf32>
        %broadcast_in_dim3A_191 = vector.shape_cast %reduce_max3A_190 : vector<16xf32> to vector<16x1xf32>
        %eq3A_192 = vector.broadcast %broadcast_in_dim3A_191 : vector<16x1xf32> to vector<16x512xf32>
        %eq3A_193 = arith.cmpf oeq, %scan3A_187, %eq3A_192 : vector<16x512xf32>
        %jit3A_194 = arith.constant 1073741824 : i32
        %broadcast_in_dim3A_195 = vector.broadcast %jit3A_194 : i32 to vector<16x512xi32>
        %select_n3A_196 = arith.select %eq3A_193, %iota3A, %broadcast_in_dim3A_195 : vector<16x512xi1>, vector<16x512xi32>
        %reduce_min3A = arith.constant dense<2147483647> : vector<16xi32>
        %reduce_min3A_197 = vector.multi_reduction <minsi>, %select_n3A_196, %reduce_min3A [1] : vector<16x512xi32> to vector<16xi32>
        %broadcast_in_dim3A_198 = vector.shape_cast %reduce_min3A_197 : vector<16xi32> to vector<16x1xi32>
        %eq3A_199 = vector.broadcast %broadcast_in_dim3A_198 : vector<16x1xi32> to vector<16x512xi32>
        %eq3A_200 = arith.cmpi eq, %iota3A, %eq3A_199 : vector<16x512xi32>
        %jit3A_201 = arith.constant -1.000000e+30 : f32
        %broadcast_in_dim3A_202 = vector.broadcast %jit3A_201 : f32 to vector<16x512xf32>
        %select_n3A_203 = arith.select %eq3A_200, %broadcast_in_dim3A_202, %scan3A_187 : vector<16x512xi1>, vector<16x512xf32>
        %jit3A_204 = arith.constant 1.000000e+00 : f32
        %broadcast_in_dim3A_205 = vector.broadcast %jit3A_204 : f32 to vector<16x512xf32>
        %select_n3A_206 = arith.select %eq3A_200, %broadcast_in_dim3A_205, %scan3A_188 : vector<16x512xi1>, vector<16x512xf32>
        scf.yield %select_n3A_203, %select_n3A_206 : vector<16x512xf32>, vector<16x512xf32>
      }
      %add3A_142 = arith.addf %scan3A_130#1, %scan3A_141#1 : vector<16x512xf32>
      %gt3A = arith.constant 5.000000e-01 : f32
      %gt3A_143 = vector.broadcast %gt3A : f32 to vector<16x512xf32>
      %gt3A_144 = arith.cmpf ogt, %add3A_142, %gt3A_143 : vector<16x512xf32>
      %slice3A = vector.extract_strided_slice %reshape3A {offsets = [0, 510, 0], sizes = [16, 1, 128], strides = [1, 1, 1]} : vector<16x512x128xf32> to vector<16x1x128xf32>
      %squeeze3A = vector.shape_cast %slice3A : vector<16x1x128xf32> to vector<16x128xf32>
      %get3A_145 = arith.constant 0 : index
      %get3A_146 = arith.constant 0 : index
      %get3A_147 = vector.load %arg14[%get3A_145, %get3A_146] : memref<128x128xf32, #tpu.memory_space<vmem>>, vector<128x128xf32>
      %convert_element_type3A_148 = arith.truncf %squeeze3A : vector<16x128xf32> to vector<16x128xbf16>
      %convert_element_type3A_149 = arith.truncf %get3A_147 : vector<128x128xf32> to vector<128x128xbf16>
      %dot_general3A_150 = arith.constant dense<0.000000e+00> : vector<16x128xf32>
      %dot_general3A_151 = tpu.matmul %convert_element_type3A_148, %convert_element_type3A_149, %dot_general3A_150 {dimension_numbers = #tpu.dot_dimension_numbers<[1], [0], [0], [1], [0, 0, 1, 1], [], []>, transpose_lhs_hint = false} : vector<16x128xbf16>, vector<128x128xbf16>, vector<16x128xf32> -> vector<16x128xf32>
      %get3A_152 = arith.constant 0 : index
      %get3A_153 = arith.constant 0 : index
      %get3A_154 = vector.load %arg15[%get3A_152, %get3A_153] : memref<1x128xf32, #tpu.memory_space<vmem>>, vector<1x128xf32>
      %add3A_155 = vector.broadcast %get3A_154 : vector<1x128xf32> to vector<16x128xf32>
      %add3A_156 = arith.addf %dot_general3A_151, %add3A_155 : vector<16x128xf32>
      %convert_element_type3A_157 = arith.truncf %reshape3A : vector<16x512x128xf32> to vector<16x512x128xbf16>
      %convert_element_type3A_158 = arith.extf %convert_element_type3A_157 : vector<16x512x128xbf16> to vector<16x512x128xf32>
      %convert_element_type3A_159 = arith.truncf %add3A_156 : vector<16x128xf32> to vector<16x128xbf16>
      %convert_element_type3A_160 = arith.extf %convert_element_type3A_159 : vector<16x128xbf16> to vector<16x128xf32>
      %broadcast_in_dim3A_161 = vector.shape_cast %convert_element_type3A_160 : vector<16x128xf32> to vector<16x1x128xf32>
      %mul3A_162 = vector.broadcast %broadcast_in_dim3A_161 : vector<16x1x128xf32> to vector<16x512x128xf32>
      %mul3A_163 = arith.mulf %convert_element_type3A_158, %mul3A_162 : vector<16x512x128xf32>
      %reduce_sum3A_164 = arith.constant dense<0.000000e+00> : vector<16x512xf32>
      %reduce_sum3A_165 = vector.multi_reduction <add>, %mul3A_163, %reduce_sum3A_164 [2] : vector<16x512x128xf32> to vector<16x512xf32>
      %jit3A_166 = arith.constant -1.000000e+30 : f32
      %broadcast_in_dim3A_167 = vector.broadcast %jit3A_166 : f32 to vector<16x512xf32>
      %select_n3A_168 = arith.select %gt3A_144, %reduce_sum3A_165, %broadcast_in_dim3A_167 : vector<16x512xi1>, vector<16x512xf32>
      %reduce_max3A = arith.constant dense<0xFF800000> : vector<16xf32>
      %reduce_max3A_169 = vector.multi_reduction <maximumf>, %select_n3A_168, %reduce_max3A [1] : vector<16x512xf32> to vector<16xf32>
      %broadcast_in_dim3A_170 = vector.shape_cast %reduce_max3A_169 : vector<16xf32> to vector<16x1xf32>
      %sub3A_171 = vector.broadcast %broadcast_in_dim3A_170 : vector<16x1xf32> to vector<16x512xf32>
      %sub3A_172 = arith.subf %select_n3A_168, %sub3A_171 : vector<16x512xf32>
      %exp3A = math.exp %sub3A_172 : vector<16x512xf32>
      %reduce_sum3A_173 = arith.constant dense<0.000000e+00> : vector<16xf32>
      %reduce_sum3A_174 = vector.multi_reduction <add>, %exp3A, %reduce_sum3A_173 [1] : vector<16x512xf32> to vector<16xf32>
      %broadcast_in_dim3A_175 = vector.shape_cast %reduce_sum3A_174 : vector<16xf32> to vector<16x1xf32>
      %div3A_176 = vector.broadcast %broadcast_in_dim3A_175 : vector<16x1xf32> to vector<16x512xf32>
      %div3A_177 = arith.divf %exp3A, %div3A_176 : vector<16x512xf32>
      %broadcast_in_dim3A_178 = vector.shape_cast %div3A_177 : vector<16x512xf32> to vector<16x512x1xf32>
      %mul3A_179 = vector.broadcast %broadcast_in_dim3A_178 : vector<16x512x1xf32> to vector<16x512x128xf32>
      %mul3A_180 = arith.mulf %reshape3A, %mul3A_179 : vector<16x512x128xf32>
      %reduce_sum3A_181 = arith.constant dense<0.000000e+00> : vector<16x128xf32>
      %reduce_sum3A_182 = vector.multi_reduction <add>, %mul3A_180, %reduce_sum3A_181 [1] : vector<16x512x128xf32> to vector<16x128xf32>
      %swap3A_183 = arith.constant 0 : index
      %swap3A_184 = arith.constant 0 : index
      %swap3A_185 = vector.load %arg19[%swap3A_183, %swap3A_184] : memref<16x128xf32, #tpu.memory_space<vmem>>, vector<16x128xf32>
      tpu.vector_store %arg19[%swap3A_183, %swap3A_184], %reduce_sum3A_182 {strides = array<i32>} : memref<16x128xf32, #tpu.memory_space<vmem>>, vector<16x128xf32>,
    } else {
    }
    %get3A = arith.constant 0 : index
    %get3A_2 = arith.constant 0 : index
    %get3A_3 = vector.load %arg19[%get3A, %get3A_2] : memref<16x128xf32, #tpu.memory_space<vmem>>, vector<16x128xf32>
    %get3A_4 = arith.constant 0 : index
    %get3A_5 = arith.constant 0 : index
    %get3A_6 = vector.load %arg16[%get3A_4, %get3A_5] : memref<128x16384xf32, #tpu.memory_space<vmem>>, vector<128x16384xf32>
    %convert_element_type3A_7 = arith.truncf %get3A_3 : vector<16x128xf32> to vector<16x128xbf16>
    %convert_element_type3A_8 = arith.truncf %get3A_6 : vector<128x16384xf32> to vector<128x16384xbf16>
    %dot_general3A = arith.constant dense<0.000000e+00> : vector<16x16384xf32>
    %dot_general3A_9 = tpu.matmul %convert_element_type3A_7, %convert_element_type3A_8, %dot_general3A {dimension_numbers = #tpu.dot_dimension_numbers<[1], [0], [0], [1], [0, 0, 1, 1], [], []>, transpose_lhs_hint = false} : vector<16x128xbf16>, vector<128x16384xbf16>, vector<16x16384xf32> -> vector<16x16384xf32>
    %get3A_10 = arith.constant 0 : index
    %get3A_11 = arith.constant 0 : index
    %get3A_12 = vector.load %arg17[%get3A_10, %get3A_11] : memref<1x16384xf32, #tpu.memory_space<vmem>>, vector<1x16384xf32>
    %add3A = vector.broadcast %get3A_12 : vector<1x16384xf32> to vector<16x16384xf32>
    %add3A_13 = arith.addf %dot_general3A_9, %add3A : vector<16x16384xf32>
    %swap3A = arith.constant 0 : index
    %swap3A_14 = arith.constant 0 : index
    %swap3A_15 = vector.load %arg18[%swap3A, %swap3A_14] : memref<16x16384xf32, #tpu.memory_space<vmem>>, vector<16x16384xf32>
    tpu.vector_store %arg18[%swap3A, %swap3A_14], %add3A_13 {strides = array<i32>} : memref<16x16384xf32, #tpu.memory_space<vmem>>, vector<16x16384xf32>,
    return
  }
  func.func @transform_0(%arg0: i32) -> (i32, i32) {
    %c0_i32 = arith.constant 0 : i32
    %c0_i32_0 = arith.constant 0 : i32
    %c0_i32_1 = arith.constant 0 : i32
    return %c0_i32, %c0_i32_0 : i32, i32
  }
  func.func @transform_1(%arg0: i32) -> (i32, i32) {
    %c0_i32 = arith.constant 0 : i32
    %c0_i32_0 = arith.constant 0 : i32
    %c0_i32_1 = arith.constant 0 : i32
    return %c0_i32, %c0_i32_0 : i32, i32
  }
  func.func @transform_2(%arg0: i32) -> (i32, i32) {
    %c0_i32 = arith.constant 0 : i32
    %c0_i32_0 = arith.constant 0 : i32
    %c0_i32_1 = arith.constant 0 : i32
    return %c0_i32, %c0_i32_0 : i32, i32
  }
  func.func @transform_3(%arg0: i32) -> (i32, i32) {
    %c0_i32 = arith.constant 0 : i32
    %c0_i32_0 = arith.constant 0 : i32
    %c0_i32_1 = arith.constant 0 : i32
    return %c0_i32, %c0_i32_0 : i32, i32
  }
  func.func @transform_4(%arg0: i32) -> (i32, i32) {
    %c0_i32 = arith.constant 0 : i32
    %c0_i32_0 = arith.constant 0 : i32
    %c0_i32_1 = arith.constant 0 : i32
    return %c0_i32, %c0_i32_0 : i32, i32
  }
  func.func @transform_5(%arg0: i32) -> (i32, i32) {
    %c0_i32 = arith.constant 0 : i32
    %c0_i32_0 = arith.constant 0 : i32
    %c0_i32_1 = arith.constant 0 : i32
    return %c0_i32, %c0_i32_0 : i32, i32
  }
  func.func @transform_6(%arg0: i32) -> (i32, i32) {
    %c0_i32 = arith.constant 0 : i32
    %c0_i32_0 = arith.constant 0 : i32
    %c0_i32_1 = arith.constant 0 : i32
    return %c0_i32, %c0_i32_0 : i32, i32
  }
  func.func @transform_7(%arg0: i32) -> (i32, i32) {
    %c0_i32 = arith.constant 0 : i32
    %c0_i32_0 = arith.constant 0 : i32
    %c0_i32_1 = arith.constant 0 : i32
    return %c0_i32, %c0_i32_0 : i32, i32
  }
  func.func @transform_8(%arg0: i32) -> (i32, i32) {
    %c0_i32 = arith.constant 0 : i32
    %c0_i32_0 = arith.constant 0 : i32
    %c0_i32_1 = arith.constant 0 : i32
    return %c0_i32, %c0_i32_0 : i32, i32
  }
  func.func @transform_9(%arg0: i32) -> (i32, i32) {
    %c0_i32 = arith.constant 0 : i32
    %c0_i32_0 = arith.constant 0 : i32
    %c0_i32_1 = arith.constant 0 : i32
    return %c0_i32, %c0_i32_0 : i32, i32
  }
  func.func @transform_10(%arg0: i32) -> (i32, i32) {
    %c0_i32 = arith.constant 0 : i32
    %c0_i32_0 = arith.constant 0 : i32
    %c0_i32_1 = arith.constant 0 : i32
    return %c0_i32, %c0_i32_0 : i32, i32
  }
  func.func @transform_11(%arg0: i32) -> (i32, i32) {
    %c0_i32 = arith.constant 0 : i32
    %c0_i32_0 = arith.constant 0 : i32
    %c0_i32_1 = arith.constant 0 : i32
    return %c0_i32, %c0_i32_0 : i32, i32
  }
  func.func @transform_12(%arg0: i32) -> (i32, i32) {
    %c0_i32 = arith.constant 0 : i32
    %c0_i32_0 = arith.constant 0 : i32
    %c0_i32_1 = arith.constant 0 : i32
    return %c0_i32, %c0_i32_0 : i32, i32
  }
  func.func @transform_13(%arg0: i32) -> (i32, i32) {
    %c0_i32 = arith.constant 0 : i32
    %c0_i32_0 = arith.constant 0 : i32
    %c0_i32_1 = arith.constant 0 : i32
    return %c0_i32, %c0_i32_0 : i32, i32
  }
  func.func @transform_14(%arg0: i32) -> (i32, i32) {
    %c0_i32 = arith.constant 0 : i32
    %c0_i32_0 = arith.constant 0 : i32
    %c0_i32_1 = arith.constant 0 : i32
    return %c0_i32, %c0_i32_0 : i32, i32
  }
  func.func @transform_15(%arg0: i32) -> (i32, i32) {
    %c0_i32 = arith.constant 0 : i32
    %c0_i32_0 = arith.constant 0 : i32
    return %c0_i32, %arg0 : i32, i32
  }
  func.func @transform_16(%arg0: i32) -> (i32, i32) {
    %c0_i32 = arith.constant 0 : i32
    %c0_i32_0 = arith.constant 0 : i32
    return %c0_i32, %arg0 : i32, i32
  }
  func.func @transform_17(%arg0: i32) -> (i32, i32) {
    %c0_i32 = arith.constant 0 : i32
    %c0_i32_0 = arith.constant 0 : i32
    return %c0_i32, %arg0 : i32, i32
  }
}

</mosaic_0001>

<sc_bundles>
// kernel: kernel.4.cloned.1.call-start
scs
__scs_entry_jumppad:
0x0: {  	(pc) =	sbr.rel $0x88, $3  }
0x1: {  	(tag) =	ssettag $0x0;
	lr =	simm.s32 $0x1  }
0x2: {  	[smem:$0x3F8F] =	sst lr;
	_ =	strace $0xD0000000  }
0x3: {  	_ = 	snop  }
0x4: {  	_ = 	snop  }
0x5: {  	_ = 	snop  }
0x6: {  	_ = 	snop  }
0x7: {  	_ = 	snop  }
__scs_overlays_trampoline_lowered:
0x8: {  	[smem:$0x3F9E] =	sst s0  }
0x9: {  	[smem:$0x3F9F] =	sst s1  }
0xa: {  	[smem:$0x3FA0] =	sst s2  }
0xb: {  	[smem:$0x3FA1] =	sst s3  }
0xc: {  	[smem:$0x3FA2] =	sst s4  }
0xd: {  	[smem:$0x3FA3] =	sst s5  }
0xe: {  	[smem:$0x3FA4] =	sst s6  }
0xf: {  	[smem:$0x3FA5] =	sst s7  }
0x10: {  	[smem:$0x3FA6] =	sst s8  }
0x11: {  	[smem:$0x3FA7] =	sst s9;
	s0 =	simm.s32 @!p0 $0x0  }
0x12: {  	s1 =	sld [smem:$0x3F8D];
	s0 =	simm.s32 @p0 $0x1  }
0x13: {  	[smem:$0x3FA8] =	sst s0;
	s0 =	simm.s32 @!p1 $0x0  }
0x14: {  	s2 =	sld [smem:$0x3F8C];
	s0 =	simm.s32 @p1 $0x1  }
0x15: {  	[smem:$0x3FA9] =	sst s0;
	s0 =	simm.s32 @!p2 $0x0  }
0x16: {  	s3 =	sld [smem:$0x3FDB];
	s0 =	simm.s32 @p2 $0x1  }
0x17: {  	s4 =	simm.s32 $0x1BF5;
	[smem:$0x3FAB] =	sst s0  }
0x18: {  	s0 =	sld [smem:$0x3F8E];
	_ =	swait.ge [sflag:s4], $0x0  }
0x19: {  	s7 =	sld [smem:$0x3F8F]  }
0x1a: {  	s8 =	sadd.s32 $0xFFFFE003, lr  }
0x1b: {  	s9 =	sadd.s32 $0xFFFFFEF7, lr;
	s5 =	simm.s32 $0xFFFFFFFF;
	p2 =	slt.u32 s8, $0xFFFFF086  }
0x1c: {  	p1 =	slt.u32 s9, $0xF7A;
	s5 =	simm.s32 @!p2 $0x0  }
0x1d: {  	s5 =	simm.s32 @p1 $0x1;
	p0 =	seq.s32 s7, s2  }
0x1e: {  	s7 =	smul.u32 @!p0 $0xF7A, s2;
	p2 =	seq.s32 @!p0 s5, $0x0  }
0x1f: {  	s9 =	smul.u32 $0xF7A, s1;
	s8 =	simm.s32 @!p0 $0x1BF5;
	p2 =	por !p2, p0  }
0x20: {  	[sflag:s8] =	ssyncset.s32 @!p0 $0xFFFFF086;
	s6 =	sadd.s32 @!p0 s3, s7;
	s7 =	simm.s32 @!p0 $0x108  }
0x21: {  	s3 =	sadd.s32 s3, s9;
	s6 =	sadd.s32 @!p0 $0x88, s6;
	s7 =	simm.s32 @p2 $0x1082  }
0x22: {  	[simem:s7], [sflag:s8] =	dma.local @!p0 [hbm:s6], $0xF7A  }
0x23: {  	s9 =	sor.u32 $0xD0000000, s2;
	s6 =	simm.s32 $0x108;
	_ =	swait.ge @!p0 [sflag:s8], $0x0  }
0x24: {  	s3 =	sadd.s32 $0x88, s3;
	s6 =	simm.s32 @!p1 $0x1082;
	[sflag:s4] =	ssyncset.s32 $0xFFFFF086  }
0x25: {  	[simem:s6], [sflag:s4] =	dma.local [hbm:s3], $0xF7A  }
0x26: {  	[smem:$0x3F8F] =	sst s1;
	(tag) =	ssettag s2;
	_ =	strace s9  }
0x27: {  	s1 =	sld [smem:$0x3F9F]  }
0x28: {  	s2 =	sld [smem:$0x3FA0]  }
0x29: {  	s4 =	sld [smem:$0x3FA2]  }
0x2a: {  	p0 =	seq.s32 s5, $0x0;
	s5 =	sld [smem:$0x3FA3]  }
0x2b: {  	s6 =	sld [smem:$0x3FA4]  }
0x2c: {  	s7 =	sld [smem:$0x3FA5]  }
0x2d: {  	s3 =	simm.s32 $0x108;
	s8 =	sld [smem:$0x3FA6]  }
0x2e: {  	s3 =	simm.s32 @!p0 $0x1082;
	s9 =	sld [smem:$0x3FA7]  }
0x2f: {  	lr =	sadd.s32 s0, s3;
	s0 =	sld [smem:$0x3F9E]  }
0x30: {  	s3 =	sld [smem:$0x3FA1]  }
0x31: {  	[smem:$0x3FAA] =	sst s10  }
0x32: {  	s10 =	sld [smem:$0x3FA8];
	_ =	sdelay $0x3  }
0x33: {  	p0 =	seq.s32 s10, $0x1;
	s10 =	sld [smem:$0x3FAA];
	_ =	sdelay $0x3  }
0x34: {  	[smem:$0x3FAA] =	sst s10  }
0x35: {  	s10 =	sld [smem:$0x3FA9];
	_ =	sdelay $0x3  }
0x36: {  	p1 =	seq.s32 s10, $0x1;
	s10 =	sld [smem:$0x3FAA];
	_ =	sdelay $0x3  }
0x37: {  	[smem:$0x3FAA] =	sst s10  }
0x38: {  	s10 =	sld [smem:$0x3FAB]  }
0x39: {  	_ = 	snop;
	(pc) =	sbr.ind lr, $3  }
0x3a: {  	_ = 	snop  }
0x3b: {  	_ = 	snop  }
0x3c: {  	p2 =	seq.s32 s10, $0x1;
	s10 =	sld [smem:$0x3FAA]  }
0x3d: {  	_ =	shalt  }
0x3e: {  	_ =	shalt  }
0x3f: {  	_ =	shalt  }
0x40: {  	_ =	shalt  }
0x41: {  	_ =	shalt  }
0x42: {  	_ =	shalt  }
0x43: {  	_ =	shalt  }
0x44: {  	_ =	shalt  }
0x45: {  	_ =	shalt  }
0x46: {  	_ =	shalt  }
0x47: {  	_ =	shalt  }
0x48: {  	_ =	shalt  }
0x49: {  	_ =	shalt  }
0x4a: {  	_ =	shalt  }
0x4b: {  	_ =	shalt  }
0x4c: {  	_ =	shalt  }
0x4d: {  	_ =	shalt  }
0x4e: {  	_ =	shalt  }
0x4f: {  	_ =	shalt  }
0x50: {  	_ =	shalt  }
0x51: {  	_ =	shalt  }
0x52: {  	_ =	shalt  }
0x53: {  	_ =	shalt  }
0x54: {  	_ =	shalt  }
0x55: {  	_ =	shalt  }
0x56: {  	_ =	shalt  }
0x57: {  	_ =	shalt  }
0x58: {  	_ =	shalt  }
0x59: {  	_ =	shalt  }
0x5a: {  	_ =	shalt  }
0x5b: {  	_ =	shalt  }
0x5c: {  	_ =	shalt  }
0x5d: {  	_ =	shalt  }
0x5e: {  	_ =	shalt  }
0x5f: {  	_ =	shalt  }
0x60: {  	_ =	shalt  }
0x61: {  	_ =	shalt  }
0x62: {  	_ =	shalt  }
0x63: {  	_ =	shalt  }
0x64: {  	_ =	shalt  }
0x65: {  	_ =	shalt  }
0x66: {  	_ =	shalt  }
0x67: {  	_ =	shalt  }
0x68: {  	_ =	shalt  }
0x69: {  	_ =	shalt  }
0x6a: {  	_ =	shalt  }
0x6b: {  	_ =	shalt  }
0x6c: {  	_ =	shalt  }
0x6d: {  	_ =	shalt  }
0x6e: {  	_ =	shalt  }
0x6f: {  	_ =	shalt  }
0x70: {  	_ =	shalt  }
0x71: {  	_ =	shalt  }
0x72: {  	_ =	shalt  }
0x73: {  	_ =	shalt  }
0x74: {  	_ =	shalt  }
0x75: {  	_ =	shalt  }
0x76: {  	_ =	shalt  }
0x77: {  	_ =	shalt  }
0x78: {  	_ =	shalt  }
0x79: {  	_ =	shalt  }
0x7a: {  	_ =	shalt  }
0x7b: {  	_ =	shalt  }
0x7c: {  	_ =	shalt  }
0x7d: {  	_ =	shalt  }
0x7e: {  	_ =	shalt  }
0x7f: {  	_ =	shalt  }
0x80: {  	_ =	shalt  }
0x81: {  	_ =	shalt  }
0x82: {  	_ =	shalt  }
0x83: {  	_ =	shalt  }
0x84: {  	_ =	shalt  }
0x85: {  	_ =	shalt  }
0x86: {  	_ =	shalt  }
0x87: {  	_ =	shalt  }
.Lfunc_end0:
.L_simem_size_0:
called_computation_lowered:
.L_overlay_start_0:
0x88: {  	s2 =	sld [smem:$0x3FD9]  }
0x89: {  	s3 =	sld [smem:$0x3FFE];
	_ =	sdelay $0x1  }
0x8a: {  	s1 =	srdreg.scid  }
0x8b: {  	s0 =	sand.u32 $0x1, s1  }
0x8c: {  	s17 =	sshll.u32 s0, $0xA;
	s2 =	sadd.s32 s3, s2  }
0x8d: {  	s2 =	sadd.s32 s2, s17  }
0x8e: {  	[smem:$0x3FB6] =	sst s2  }
0x8f: {  	_ = 	snop  }
0x90: {  	s2 =	sld [smem:$0x3FC8]  }
0x91: {  	s18 =	sld [smem:$0x3FD0];
	(tm) =	ssettm $0x1  }
0x92: {  	s4 =	sld [smem:$0x3FFB];
	_ =	sdelay $0x3  }
0x93: {  	_ =	strace s4  }
0x94: {  	s4 =	sld [smem:$0x3FFC];
	_ =	sdelay $0x3  }
0x95: {  	_ =	strace s4  }
0x96: {  	s4 =	sld [smem:$0x3FFD];
	_ =	sdelay $0x3  }
0x97: {  	_ =	strace s4  }
0x98: {  	_ =	strace $0x8FFFFFFF  }
0x99: {  	s19 =	sld [smem:$0x3FDB];
	_ =	sdelay $0x1  }
0x9a: {  	s5 =	simm.s32 $_scs_section_size  }
0x9b: {  	s6 =	simm.s32 $_size__tile_overlayer_lowered;
	s7 =	simm.s32 $_tile_overlayer_lowered  }
0x9c: {  	s22 =	simm.s32 $0x1BFF;
	s21 =	sshll.u32 s7, $0x1;
	s4 =	sadd.s32 s5, s19  }
0x9d: {  	s8 =	simm.s32 $0x0;
	s20 =	sshll.u32 s6, $0x1;
	s6 =	sadd.s32 s21, s4  }
0x9e: {  	[timem:s8], [sflag:s22] =	dma.local [hbm:s6], s20  }
0x9f: {  	_ =	swait.ge [sflag:s22], s20  }
0xa0: {  	s5 =	ssub.s32 $0x0, s20;
	[sflag:s22] =	ssyncset.done $0x0  }
0xa1: {  	[sflag:s22] =	ssyncadd.s32 s5;
	_ =	sdelay $0x1  }
0xa2: {  	s23 =	simm.s32 $0x1B8B  }
0xa3: {  	_ =	swait.ge [sflag:s23], $0x1  }
0xa4: {  	[sflag:s23] =	ssyncset.done $0x0  }
0xa5: {  	s25 =	simm.s32 $0x1B8E;
	s24 =	sld [smem:$0x3FFE];
	[sflag:s23] =	ssyncadd.s32 $0xFFFFFFFF  }
0xa6: {  	s26 =	simm.s32 $execute0_lowered;
	[smem:$0x3FD2] =	sst s25  }
0xa7: {  	s6 =	sshll.u32 s26, $0x1;
	_ =	strace $0x80000046;
	[dreg:$0x1] =	wrdreg $0xFFFFFFFF  }
0xa8: {  	s28 =	simm.s32 $_size_execute0_lowered;
	s4 =	sadd.s32 s4, s6;
	[dreg:$0x0] =	wrdreg $0x0  }
0xa9: {  	s6 =	sshll.u32 s28, $0x1;
	[dreg:$0x2] =	wrdreg s4  }
0xaa: {  	[dreg:$0x3] =	wrdreg s6  }
0xab: {  	[dreg:$0x4] =	wrdreg $0xC0  }
0xac: {  	_ =	task [dreg:s8], $0x5FFFF  }
0xad: {  	[dreg:$0x1] =	wrdreg $0xFFFFFFFF  }
0xae: {  	[dreg:$0x0] =	wrdreg $0x60  }
0xaf: {  	[dreg:$0x2] =	wrdreg s24  }
0xb0: {  	[dreg:$0x3] =	wrdreg s2  }
0xb1: {  	[dreg:$0x4] =	wrdreg s18  }
0xb2: {  	[dreg:$0x5] =	wrdreg $0x9  }
0xb3: {  	_ =	task.clear_ibuf [dreg:s8], $0x6FFFF;
	_ =	strace $0x90000046  }
0xb4: {  	s29 =	simm.s32 $0x9;
	_ =	strace $0x80000048  }
0xb5: {  	_ =	swait.ge [sflag:s29], $0x1  }
0xb6: {  	[sflag:s29] =	ssyncadd.s32 $0xFFFFFFFF  }
0xb7: {  	_ =	strace $0x90000048  }
0xb8: {  	_ =	sfence  }
0xb9: {  	s30 =	sld [smem:$0x0];
	_ =	sdelay $0x2  }
0xba: {  	s31 =	sshll.u32 s1, $0xD;
	s1 =	sshrl.u32 s1, $0x2  }
0xbb: {  	s3 =	sand.u32 $0x4000, s31;
	s1 =	sadd.s32 s1, s30  }
0xbc: {  	s0 =	sor.u32 s3, s0;
	s1 =	sshll.u32 s1, $0x11  }
0xbd: {  	s0 =	sor.u32 s1, s0  }
0xbe: {  	s0 =	sadd.s32 $0x8F2B, s0  }
0xbf: {  	[sflag:s0] =	ssyncadd.remote.s32 $0x1  }
0xc0: {  	_ =	sfence.sel $0xFFFF  }
0xc1: {  	[dreg:$0x0] =	wrdreg $0xFFFFFFFF;
	(pc) =	sbr.abs _section_cstart, $3  }
0xc2: {  	[dreg:$0x1] =	wrdreg $0xFFFFFFFF  }
0xc3: {  	_ =	task.clear_ibuf [dreg:s8], $0x2FFFF;
	_ =	strace $0x9FFFFFFF  }
0xc4: {  	(tm) =	ssettm $0x7FFFFFFF  }
0xc5: {  	_ =	shalt  }
tec
execute0_lowered:
.L_overlay_start_1:
0x0: {  	(tag) =	ssettag $0x1  }
0x1: {  	s4 =	rddreg [dreg:$0x0]  }
0x2: {  	s1 =	srdreg.scid;
	s0 =	stileid.u32  }
0x3: {  	s2 =	rddreg [dreg:$0x1];
	s10 =	sand.u32 $0x1, s1;
	s29 =	sshll.u32 s0, $0x1  }
0x4: {  	s11 =	rddreg [dreg:$0x2];
	s12 =	sor.u32 s10, s29  }
0x5: {  	s3 =	simm.s32 $0x0;
	s1 =	rddreg [dreg:$0x3];
	s5 =	sshll.u32 s12, $0x5  }
0x6: {  	[smem:$0x7FF] =	sst s3;
	s4 =	sadd.s32 s5, s4  }
0x7: {  	_ =	strace $0x80000047;
	s5 =	sadd.s32 $0x2000, s4;
	s4 =	simm.s32 $0x2  }
0x8: {  	[tilespmem:s3], [sflag:$0x2] =	stream.linear.gather [hbm4b:s5+s3], $0x100, $0x38;
	[tilespmem:$0x8100] =	vst v63  }
0x9: {  	_ =	swait.ge [sflag:s4], $0x100  }
0xa: {  	[sflag:s4] =	ssyncset.done $0x0  }
0xb: {  	s6 =	simm.s32 $0x80;
	s7 =	simm.s32 $0x100;
	[sflag:s4] =	ssyncadd.s32 $0xFFFFFF00  }
0xc: {  	[tilespmem:s7], [sflag:$0x1] =	stream.indirect.gather [hbm4b:s2+s6], $0x80, s3, s6, $0xb8;
	[tilespmem:$0x8100] =	vst v63  }
0xd: {  	s8 =	simm.s32 $0x4100;
	s9 =	simm.s32 $0x1;
	s10 =	ssub.s32 $0x2, s10  }
0xe: {  	[tilespmem:s8], [sflag:$0x1] =	stream.indirect.gather [hbm4b:s2+s6], $0x80, s6, s6, $0xb8;
	[tilespmem:$0x8100] =	vst v63  }
0xf: {  	s13 =	sshrl.u32 s10, $0x1;
	_ =	swait.ge [sflag:s9], $0x4000  }
0x10: {  	s13 =	ssub.s32 s10, s13;
	[sflag:s9] =	ssyncset.done $0x0  }
0x11: {  	s31 =	smax.u32 s13, $0x1;
	[sflag:s9] =	ssyncadd.s32 $0xFFFFC000  }
0x12: {  	p0 =	sne.s32 s31, $0x1;
	_ =	swait.ge [sflag:s9], $0x4000  }
.Ltmp0:
0x13: {  	s30 =	sshll.u32 s12, $0xC;
	[sflag:s9] =	ssyncset.done $0x0;
	(pc) =	sbr.rel @!p0 .LBB2_2-.Ltmp0, $4  }
0x14: {  	s10 =	sadd.s32 s11, s30;
	[sflag:s9] =	ssyncadd.s32 $0xFFFFC000  }
0x15: {  	[hbm4b:s10+s3] =	stream.linear.scatter [tilespmem:s7], [sflag:$0x2], $0x8000, $0x38;
	[tilespmem:$0x8100] =	vst v63  }
0x16: {  	_ =	swait.ge [sflag:s4], $0x8000  }
0x17: {  	s11 =	sadd.s32 $0xFFFFFFFF, s31;
	[sflag:s4] =	ssyncset.done $0x0  }
.LBB2_1:
0x18: {  	p0 =	sne.s32 s11, $0x1;
	s11 =	sadd.s32 $0xFFFFFFFF, s11;
	[sflag:s4] =	ssyncadd.s32 $0xFFFF8000  }
0x19: {  	[tilespmem:s3], [sflag:$0x2] =	stream.linear.gather [hbm4b:s5+s3], $0x100, $0x38;
	[tilespmem:$0x8100] =	vst v63  }
0x1a: {  	_ =	swait.ge [sflag:s4], $0x100  }
0x1b: {  	[sflag:s4] =	ssyncset.done $0x0  }
0x1c: {  	[sflag:s4] =	ssyncadd.s32 $0xFFFFFF00  }
0x1d: {  	[tilespmem:s7], [sflag:$0x1] =	stream.indirect.gather [hbm4b:s2+s6], $0x80, s3, s6, $0xb8;
	[tilespmem:$0x8100] =	vst v63  }
0x1e: {  	_ = 	snop  }
0x1f: {  	[tilespmem:s8], [sflag:$0x1] =	stream.indirect.gather [hbm4b:s2+s6], $0x80, s6, s6, $0xb8;
	[tilespmem:$0x8100] =	vst v63  }
0x20: {  	_ =	swait.ge [sflag:s9], $0x4000  }
0x21: {  	[sflag:s9] =	ssyncset.done $0x0  }
0x22: {  	[sflag:s9] =	ssyncadd.s32 $0xFFFFC000  }
0x23: {  	_ =	swait.ge [sflag:s9], $0x4000  }
.Ltmp1:
0x24: {  	[sflag:s9] =	ssyncset.done $0x0;
	(pc) =	sbr.rel @p0 .LBB2_1-.Ltmp1, $4  }
0x25: {  	[sflag:s9] =	ssyncadd.s32 $0xFFFFC000  }
0x26: {  	[hbm4b:s10+s3] =	stream.linear.scatter [tilespmem:s7], [sflag:$0x2], $0x8000, $0x38;
	[tilespmem:$0x8100] =	vst v63  }
0x27: {  	_ =	swait.ge [sflag:s4], $0x8000  }
0x28: {  	[sflag:s4] =	ssyncset.done $0x0  }
.LBB2_2:
0x29: {  	[sflag:s4] =	ssyncadd.s32 $0xFFFF8000  }
0x2a: {  	_ =	sfence.sel $0x180000  }
0x2b: {  	[bflag:$0x0] =	sbarrier.arrive $0xFFFF  }
0x2c: {  	p0 =	sne.s32 s0, $0x0;
	_ =	strace $0x90000047  }
0x2d: {  	s0 =	sadd.s32 @!p0 $0x100000, s1;
	[bflag:$0x2] =	sbarrier.arrive $0xFFFF  }
0x2e: {  	[sflag:s0] =	ssyncadd.tile.s32 @!p0 $0x1;
	_ =	shalt  }
.Lfunc_end2:
_tile_overlayer_lowered:
.L_overlay_start_2:
0x2f: {  	(tag) =	ssettag $0x2  }
0x30: {  	s0 =	rddreg [dreg:$0x0];
	s2 =	stileid.u32  }
0x31: {  	s1 =	rddreg [dreg:$0x1];
	p0 =	sne.s32 s2, $0x0  }
0x32: {  	s3 =	rddreg [dreg:$0x2];
	[bflag:$0x3] =	sbarrier.arrive $0xFFFF;
	s2 =	simm.s32 @!p0 $0x1C02  }
0x33: {  	[timem:s3], [sflag:s2] =	dma.local @!p0 [hbm:s0], s1  }
0x34: {  	s0 =	simm.s32 @!p0 $0x2  }
0x35: {  	_ =	swait.ge @!p0 [sflag:s0], s1  }
0x36: {  	s1 =	ssub.s32 @!p0 $0x0, s1;
	[sflag:s0] =	ssyncset.done @!p0 $0x0  }
0x37: {  	[sflag:s0] =	ssyncadd.s32 @!p0 s1  }
0x38: {  	[bflag:$0x3] =	sbarrier.arrive $0xFFFF  }
0x39: {  	_ =	shalt  }

</sc_bundles>
